<compile_context>
chip_gen: v7x
topology: tpu7x:2x2x1
jax: 0.10.2.dev20260603
libtpu: 0.0.44.dev20260713+nightly
codegen_flags: <defaults>
</compile_context>

<pallas_src>
import functools

import jax
import jax.numpy as jnp
from jax import lax
from jax.experimental import pallas as pl
from jax.experimental.pallas import tpu as pltpu
from jax.experimental.pallas import tpu_sc as plsc

_NUM_CORES = 2
_NUM_SUBCORES = 16
_NW = _NUM_CORES * _NUM_SUBCORES
_L = 16


def _make_sc_kernel(n_rows):
    rows_per_w = n_rows // _NW
    chunks = rows_per_w // _L
    mesh = plsc.VectorSubcoreMesh(
        core_axis_name="c", subcore_axis_name="s", num_cores=_NUM_CORES
    )

    @functools.partial(
        pl.kernel,
        out_type=jax.ShapeDtypeStruct((3, n_rows), jnp.float32),
        mesh=mesh,
        scratch_types=[
            pltpu.VMEM((9, rows_per_w), jnp.float32),
            pltpu.VMEM((3, rows_per_w), jnp.float32),
        ],
        compiler_params=pltpu.CompilerParams(
            needs_layout_passes=False,
        ),
    )
    def sc_kernel(x_hbm, out_hbm, x_v, out_v):
        wid = lax.axis_index("s") * _NUM_CORES + lax.axis_index("c")
        base = wid * rows_per_w
        pltpu.sync_copy(x_hbm.at[:, pl.ds(base, rows_per_w)], x_v)

        zero_f = jnp.zeros((_L,), jnp.float32)

        def get_m(a, b, c):
            p = (a > jnp.maximum(b, c)).astype(jnp.int32)
            q = (c > jnp.maximum(a, b)).astype(jnp.int32)
            return p - q

        def body(i):
            sl = pl.ds(i * _L, _L)
            xs = [x_v[c, sl] for c in range(9)]
            m_u = get_m(*xs[0:3])
            m_n = get_m(*xs[3:6])
            m_d = get_m(*xs[6:9])
            calc = jnp.abs(m_n) * (m_u + m_d + m_n)
            s = jnp.sign(calc)
            keep_u = s == m_u
            keep_n = s == m_n
            keep_d = s == m_d
            c0 = calc == 0
            c1 = calc == 1
            def val(g, keep):
                raw = jnp.where(c0, xs[3 * g + 1],
                                jnp.where(c1, xs[3 * g], xs[3 * g + 2]))
                return jnp.where(keep, raw, zero_f)

            val_u = val(0, keep_u)
            val_n = val(1, keep_n)
            val_d = val(2, keep_d)
            w_u = (val_u >= val_n) & (val_u >= val_d)
            w_n = jnp.logical_not(w_u) & (val_n >= val_d)
            k_win = jnp.where(w_u, keep_u, jnp.where(w_n, keep_n, keep_d))
            for j in range(3):
                sel = jnp.where(w_u, xs[j],
                                jnp.where(w_n, xs[3 + j], xs[6 + j]))
                out_v[j, sl] = jnp.where(k_win, sel, zero_f)

        plsc.parallel_loop(0, chunks, 1, unroll=2)(body)
        pltpu.sync_copy(out_v, out_hbm.at[:, pl.ds(base, rows_per_w)])

    return sc_kernel


def kernel(inputs):
    n_rows, n_feat = inputs.shape
    assert n_feat == 9 and n_rows % (_NW * _L) == 0
    out_t = _make_sc_kernel(n_rows)(inputs.T)
    return out_t.T

# --- scband reference (transcript-rebuilt; emitter-appended) ---
"""Pipeline reference for scband-concat-layer-37589553774933 (READ-ONLY COPY).

The authoritative reference and input builder live on the scoring server;
editing this copy changes nothing except your own understanding.
"""

import jax, jax.numpy as jnp
import numpy as np

B = 65536


def setup_inputs(seed: int = 0) -> dict:
    key = jax.random.key(seed)
    inputs = jax.random.normal(key, (B, 9), dtype=jnp.float32)
    return {"inputs": inputs}


def _get_max_index(v):
    # TF: if the max is unique, return argmax(reverse(v)) - 1 (== 1 - argmax(v));
    # otherwise return 0.
    mx = jnp.max(v)
    cnt = jnp.sum((v == mx).astype(jnp.int32))
    return jnp.where(cnt == 1, jnp.argmax(v[::-1]).astype(jnp.int32) - 1, jnp.int32(0))


def _concat_result(row):
    up = row[0:3]
    none_v = row[3:6]
    down = row[6:9]
    m_u = _get_max_index(up)
    m_n = _get_max_index(none_v)
    m_d = _get_max_index(down)
    # calc_value = |m_none| * (m_up + m_down + m_none)
    calc = jnp.abs(m_n) * (m_u + m_d + m_n)
    # remove_ex_data: keep sub-vector only if sign(calc) == its max index
    s = jnp.sign(calc)
    up2 = up * (s == m_u).astype(row.dtype)
    none2 = none_v * (s == m_n).astype(row.dtype)
    down2 = down * (s == m_d).astype(row.dtype)
    # find_best_data: remap idx (0->1, 1->0, else->2), pick sub-vector whose
    # element at idx is largest, return that 3-slice of concat([up,none,down])
    idx = jnp.where(calc == 0, jnp.int32(1), jnp.where(calc == 1, jnp.int32(0), jnp.int32(2)))
    vals = jnp.stack([up2[idx], none2[idx], down2[idx]])
    offset = jnp.argmax(vals).astype(jnp.int32) * 3
    full = jnp.concatenate([up2, none2, down2])
    return jax.lax.dynamic_slice(full, (offset,), (3,))


def reference(inputs):
    return jax.vmap(_concat_result)(inputs)

if __name__ == "__main__":
    import jax
    _d = setup_inputs()
    print(jax.jit(kernel)(*tuple(_d.values())))

</pallas_src>

<mosaic_0001>
#map = affine_map<(d0, d1) -> (0, 0)>
module attributes {stable_mosaic.version = 14 : i64} {
  func.func @sc_kernel(%arg0: i32, %arg1: i32, %arg2: memref<9x65536xf32, #tpu.memory_space<hbm>>, %arg3: memref<3x65536xf32, #tpu.memory_space<hbm>>, %arg4: memref<9x2048xf32, #tpu.memory_space<vmem>>, %arg5: memref<3x2048xf32, #tpu.memory_space<vmem>>) attributes {dimension_semantics = [#tpu.dimension_semantics<core_parallel>, #tpu.dimension_semantics<subcore_parallel>], iteration_bounds = array<i64: 2, 16>, scalar_prefetch = 0 : i64, scratch_operands = 2 : i64, tpu.core_type = #tpu.core_type<sc_vector_subcore>, window_params = [{transform_indices = #map}, {transform_indices = #map}]} {
    %mul3A = arith.constant 2 : i32
    %mul3A_0 = arith.muli %arg1, %mul3A : i32
    %add3A = arith.addi %mul3A_0, %arg0 : i32
    %mul3A_1 = arith.constant 2048 : i32
    %mul3A_2 = arith.muli %add3A, %mul3A_1 : i32
    "tpu.region"() ({
      %run_scoped3A = tpu.sem_alloc : memref<!tpu.dma_semaphore, #tpu.memory_space<semaphore_mem>>
      %dma_start3A = arith.constant 0 : i32
      %dma_start3A_6 = tpu.memref_slice %arg2[%dma_start3A, %mul3A_2] : memref<9x65536xf32, #tpu.memory_space<hbm>> -> memref<9x2048xf32, #tpu.memory_space<hbm>>
      %dma_start3A_7 = arith.constant 0 : i32
      %dma_start3A_8 = tpu.memref_slice %arg2[%dma_start3A_7, %mul3A_2] : memref<9x65536xf32, #tpu.memory_space<hbm>> -> memref<9x2048xf32, #tpu.memory_space<hbm>>
      tpu.enqueue_dma source(%dma_start3A_8 : memref<9x2048xf32, #tpu.memory_space<hbm>>) target(%arg4 : memref<9x2048xf32, #tpu.memory_space<vmem>>) target_semaphore(%run_scoped3A : memref<!tpu.dma_semaphore, #tpu.memory_space<semaphore_mem>>)
      %dma_wait3A = arith.constant 0 : i32
      %dma_wait3A_9 = tpu.memref_slice %arg2[%dma_wait3A, %mul3A_2] : memref<9x65536xf32, #tpu.memory_space<hbm>> -> memref<9x2048xf32, #tpu.memory_space<hbm>>
      %dma_wait3A_10 = arith.constant 0 : i32
      %dma_wait3A_11 = tpu.memref_slice %arg2[%dma_wait3A_10, %mul3A_2] : memref<9x65536xf32, #tpu.memory_space<hbm>> -> memref<9x2048xf32, #tpu.memory_space<hbm>>
      tpu.wait_dma2 semaphore(%run_scoped3A : memref<!tpu.dma_semaphore, #tpu.memory_space<semaphore_mem>>) src(%dma_wait3A_11 : memref<9x2048xf32, #tpu.memory_space<hbm>>) dst(%arg4 : memref<9x2048xf32, #tpu.memory_space<vmem>>)
      tpu.yield
    }) : () -> ()
    %broadcast_in_dim3A = arith.constant 0.000000e+00 : f32
    %broadcast_in_dim3A_3 = vector.broadcast %broadcast_in_dim3A : f32 to vector<16xf32>
    %parallel_loop3A = arith.constant 0 : i32
    %parallel_loop3A_4 = arith.constant 128 : i32
    %parallel_loop3A_5 = arith.constant 1 : i32
    scf.for %parallel_loop3A_6 = %parallel_loop3A to %parallel_loop3A_4 step %parallel_loop3A_5  : i32 {
      %parallel_loop3A_7 = arith.constant 16 : i32
      %parallel_loop3A_8 = arith.muli %parallel_loop3A_6, %parallel_loop3A_7 : i32
      %parallel_loop3A_9 = arith.constant 0 : i32
      %parallel_loop3A_10 = arith.index_cast %parallel_loop3A_9 : i32 to index
      %parallel_loop3A_11 = arith.index_cast %parallel_loop3A_8 : i32 to index
      %parallel_loop3A_12 = tpu.vector_load %arg4[%parallel_loop3A_10, %parallel_loop3A_11] {strides = array<i32>} : memref<9x2048xf32, #tpu.memory_space<vmem>>, vector<16xf32>,
      %parallel_loop3A_13 = arith.constant 1 : i32
      %parallel_loop3A_14 = arith.index_cast %parallel_loop3A_13 : i32 to index
      %parallel_loop3A_15 = arith.index_cast %parallel_loop3A_8 : i32 to index
      %parallel_loop3A_16 = tpu.vector_load %arg4[%parallel_loop3A_14, %parallel_loop3A_15] {strides = array<i32>} : memref<9x2048xf32, #tpu.memory_space<vmem>>, vector<16xf32>,
      %parallel_loop3A_17 = arith.constant 2 : i32
      %parallel_loop3A_18 = arith.index_cast %parallel_loop3A_17 : i32 to index
      %parallel_loop3A_19 = arith.index_cast %parallel_loop3A_8 : i32 to index
      %parallel_loop3A_20 = tpu.vector_load %arg4[%parallel_loop3A_18, %parallel_loop3A_19] {strides = array<i32>} : memref<9x2048xf32, #tpu.memory_space<vmem>>, vector<16xf32>,
      %parallel_loop3A_21 = arith.constant 3 : i32
      %parallel_loop3A_22 = arith.index_cast %parallel_loop3A_21 : i32 to index
      %parallel_loop3A_23 = arith.index_cast %parallel_loop3A_8 : i32 to index
      %parallel_loop3A_24 = tpu.vector_load %arg4[%parallel_loop3A_22, %parallel_loop3A_23] {strides = array<i32>} : memref<9x2048xf32, #tpu.memory_space<vmem>>, vector<16xf32>,
      %parallel_loop3A_25 = arith.constant 4 : i32
      %parallel_loop3A_26 = arith.index_cast %parallel_loop3A_25 : i32 to index
      %parallel_loop3A_27 = arith.index_cast %parallel_loop3A_8 : i32 to index
      %parallel_loop3A_28 = tpu.vector_load %arg4[%parallel_loop3A_26, %parallel_loop3A_27] {strides = array<i32>} : memref<9x2048xf32, #tpu.memory_space<vmem>>, vector<16xf32>,
      %parallel_loop3A_29 = arith.constant 5 : i32
      %parallel_loop3A_30 = arith.index_cast %parallel_loop3A_29 : i32 to index
      %parallel_loop3A_31 = arith.index_cast %parallel_loop3A_8 : i32 to index
      %parallel_loop3A_32 = tpu.vector_load %arg4[%parallel_loop3A_30, %parallel_loop3A_31] {strides = array<i32>} : memref<9x2048xf32, #tpu.memory_space<vmem>>, vector<16xf32>,
      %parallel_loop3A_33 = arith.constant 6 : i32
      %parallel_loop3A_34 = arith.index_cast %parallel_loop3A_33 : i32 to index
      %parallel_loop3A_35 = arith.index_cast %parallel_loop3A_8 : i32 to index
      %parallel_loop3A_36 = tpu.vector_load %arg4[%parallel_loop3A_34, %parallel_loop3A_35] {strides = array<i32>} : memref<9x2048xf32, #tpu.memory_space<vmem>>, vector<16xf32>,
      %parallel_loop3A_37 = arith.constant 7 : i32
      %parallel_loop3A_38 = arith.index_cast %parallel_loop3A_37 : i32 to index
      %parallel_loop3A_39 = arith.index_cast %parallel_loop3A_8 : i32 to index
      %parallel_loop3A_40 = tpu.vector_load %arg4[%parallel_loop3A_38, %parallel_loop3A_39] {strides = array<i32>} : memref<9x2048xf32, #tpu.memory_space<vmem>>, vector<16xf32>,
      %parallel_loop3A_41 = arith.constant 8 : i32
      %parallel_loop3A_42 = arith.index_cast %parallel_loop3A_41 : i32 to index
      %parallel_loop3A_43 = arith.index_cast %parallel_loop3A_8 : i32 to index
      %parallel_loop3A_44 = tpu.vector_load %arg4[%parallel_loop3A_42, %parallel_loop3A_43] {strides = array<i32>} : memref<9x2048xf32, #tpu.memory_space<vmem>>, vector<16xf32>,
      %parallel_loop3A_45 = arith.maximumf %parallel_loop3A_16, %parallel_loop3A_20 : vector<16xf32>
      %parallel_loop3A_46 = arith.cmpf ogt, %parallel_loop3A_12, %parallel_loop3A_45 : vector<16xf32>
      %parallel_loop3A_47 = arith.extui %parallel_loop3A_46 : vector<16xi1> to vector<16xi32>
      %parallel_loop3A_48 = arith.maximumf %parallel_loop3A_12, %parallel_loop3A_16 : vector<16xf32>
      %parallel_loop3A_49 = arith.cmpf ogt, %parallel_loop3A_20, %parallel_loop3A_48 : vector<16xf32>
      %parallel_loop3A_50 = arith.extui %parallel_loop3A_49 : vector<16xi1> to vector<16xi32>
      %parallel_loop3A_51 = arith.subi %parallel_loop3A_47, %parallel_loop3A_50 : vector<16xi32>
      %parallel_loop3A_52 = arith.maximumf %parallel_loop3A_28, %parallel_loop3A_32 : vector<16xf32>
      %parallel_loop3A_53 = arith.cmpf ogt, %parallel_loop3A_24, %parallel_loop3A_52 : vector<16xf32>
      %parallel_loop3A_54 = arith.extui %parallel_loop3A_53 : vector<16xi1> to vector<16xi32>
      %parallel_loop3A_55 = arith.maximumf %parallel_loop3A_24, %parallel_loop3A_28 : vector<16xf32>
      %parallel_loop3A_56 = arith.cmpf ogt, %parallel_loop3A_32, %parallel_loop3A_55 : vector<16xf32>
      %parallel_loop3A_57 = arith.extui %parallel_loop3A_56 : vector<16xi1> to vector<16xi32>
      %parallel_loop3A_58 = arith.subi %parallel_loop3A_54, %parallel_loop3A_57 : vector<16xi32>
      %parallel_loop3A_59 = arith.maximumf %parallel_loop3A_40, %parallel_loop3A_44 : vector<16xf32>
      %parallel_loop3A_60 = arith.cmpf ogt, %parallel_loop3A_36, %parallel_loop3A_59 : vector<16xf32>
      %parallel_loop3A_61 = arith.extui %parallel_loop3A_60 : vector<16xi1> to vector<16xi32>
      %parallel_loop3A_62 = arith.maximumf %parallel_loop3A_36, %parallel_loop3A_40 : vector<16xf32>
      %parallel_loop3A_63 = arith.cmpf ogt, %parallel_loop3A_44, %parallel_loop3A_62 : vector<16xf32>
      %parallel_loop3A_64 = arith.extui %parallel_loop3A_63 : vector<16xi1> to vector<16xi32>
      %parallel_loop3A_65 = arith.subi %parallel_loop3A_61, %parallel_loop3A_64 : vector<16xi32>
      %parallel_loop3A_66 = math.absi %parallel_loop3A_58 : vector<16xi32>
      %parallel_loop3A_67 = arith.addi %parallel_loop3A_51, %parallel_loop3A_65 : vector<16xi32>
      %parallel_loop3A_68 = arith.addi %parallel_loop3A_67, %parallel_loop3A_58 : vector<16xi32>
      %parallel_loop3A_69 = arith.muli %parallel_loop3A_66, %parallel_loop3A_68 : vector<16xi32>
      %parallel_loop3A_70 = arith.constant 0 : i32
      %parallel_loop3A_71 = vector.broadcast %parallel_loop3A_70 : i32 to vector<16xi32>
      %parallel_loop3A_72 = arith.cmpi sgt, %parallel_loop3A_69, %parallel_loop3A_71 : vector<16xi32>
      %parallel_loop3A_73 = arith.extui %parallel_loop3A_72 : vector<16xi1> to vector<16xi32>
      %parallel_loop3A_74 = arith.constant 0 : i32
      %parallel_loop3A_75 = vector.broadcast %parallel_loop3A_74 : i32 to vector<16xi32>
      %parallel_loop3A_76 = arith.cmpi slt, %parallel_loop3A_69, %parallel_loop3A_75 : vector<16xi32>
      %parallel_loop3A_77 = arith.extui %parallel_loop3A_76 : vector<16xi1> to vector<16xi32>
      %parallel_loop3A_78 = arith.subi %parallel_loop3A_73, %parallel_loop3A_77 : vector<16xi32>
      %parallel_loop3A_79 = arith.cmpi eq, %parallel_loop3A_78, %parallel_loop3A_51 : vector<16xi32>
      %parallel_loop3A_80 = arith.cmpi eq, %parallel_loop3A_78, %parallel_loop3A_58 : vector<16xi32>
      %parallel_loop3A_81 = arith.cmpi eq, %parallel_loop3A_78, %parallel_loop3A_65 : vector<16xi32>
      %parallel_loop3A_82 = arith.constant 0 : i32
      %parallel_loop3A_83 = vector.broadcast %parallel_loop3A_82 : i32 to vector<16xi32>
      %parallel_loop3A_84 = arith.cmpi eq, %parallel_loop3A_69, %parallel_loop3A_83 : vector<16xi32>
      %parallel_loop3A_85 = arith.constant 1 : i32
      %parallel_loop3A_86 = vector.broadcast %parallel_loop3A_85 : i32 to vector<16xi32>
      %parallel_loop3A_87 = arith.cmpi eq, %parallel_loop3A_69, %parallel_loop3A_86 : vector<16xi32>
      %parallel_loop3A_88 = arith.select %parallel_loop3A_87, %parallel_loop3A_12, %parallel_loop3A_20 : vector<16xi1>, vector<16xf32>
      %parallel_loop3A_89 = arith.select %parallel_loop3A_84, %parallel_loop3A_16, %parallel_loop3A_88 : vector<16xi1>, vector<16xf32>
      %parallel_loop3A_90 = arith.select %parallel_loop3A_79, %parallel_loop3A_89, %broadcast_in_dim3A_3 : vector<16xi1>, vector<16xf32>
      %parallel_loop3A_91 = arith.select %parallel_loop3A_87, %parallel_loop3A_24, %parallel_loop3A_32 : vector<16xi1>, vector<16xf32>
      %parallel_loop3A_92 = arith.select %parallel_loop3A_84, %parallel_loop3A_28, %parallel_loop3A_91 : vector<16xi1>, vector<16xf32>
      %parallel_loop3A_93 = arith.select %parallel_loop3A_80, %parallel_loop3A_92, %broadcast_in_dim3A_3 : vector<16xi1>, vector<16xf32>
      %parallel_loop3A_94 = arith.select %parallel_loop3A_87, %parallel_loop3A_36, %parallel_loop3A_44 : vector<16xi1>, vector<16xf32>
      %parallel_loop3A_95 = arith.select %parallel_loop3A_84, %parallel_loop3A_40, %parallel_loop3A_94 : vector<16xi1>, vector<16xf32>
      %parallel_loop3A_96 = arith.select %parallel_loop3A_81, %parallel_loop3A_95, %broadcast_in_dim3A_3 : vector<16xi1>, vector<16xf32>
      %parallel_loop3A_97 = arith.cmpf oge, %parallel_loop3A_90, %parallel_loop3A_93 : vector<16xf32>
      %parallel_loop3A_98 = arith.cmpf oge, %parallel_loop3A_90, %parallel_loop3A_96 : vector<16xf32>
      %parallel_loop3A_99 = arith.andi %parallel_loop3A_97, %parallel_loop3A_98 : vector<16xi1>
      %parallel_loop3A_100 = arith.constant dense<true> : vector<16xi1>
      %parallel_loop3A_101 = arith.xori %parallel_loop3A_99, %parallel_loop3A_100 : vector<16xi1>
      %parallel_loop3A_102 = arith.cmpf oge, %parallel_loop3A_93, %parallel_loop3A_96 : vector<16xf32>
      %parallel_loop3A_103 = arith.andi %parallel_loop3A_101, %parallel_loop3A_102 : vector<16xi1>
      %parallel_loop3A_104 = arith.select %parallel_loop3A_103, %parallel_loop3A_80, %parallel_loop3A_81 : vector<16xi1>, vector<16xi1>
      %parallel_loop3A_105 = arith.select %parallel_loop3A_99, %parallel_loop3A_79, %parallel_loop3A_104 : vector<16xi1>, vector<16xi1>
      %parallel_loop3A_106 = arith.select %parallel_loop3A_103, %parallel_loop3A_24, %parallel_loop3A_36 : vector<16xi1>, vector<16xf32>
      %parallel_loop3A_107 = arith.select %parallel_loop3A_99, %parallel_loop3A_12, %parallel_loop3A_106 : vector<16xi1>, vector<16xf32>
      %parallel_loop3A_108 = arith.select %parallel_loop3A_105, %parallel_loop3A_107, %broadcast_in_dim3A_3 : vector<16xi1>, vector<16xf32>
      %parallel_loop3A_109 = arith.constant 0 : i32
      %parallel_loop3A_110 = arith.index_cast %parallel_loop3A_109 : i32 to index
      %parallel_loop3A_111 = arith.index_cast %parallel_loop3A_8 : i32 to index
      %parallel_loop3A_112 = tpu.vector_load %arg5[%parallel_loop3A_110, %parallel_loop3A_111] {strides = array<i32>} : memref<3x2048xf32, #tpu.memory_space<vmem>>, vector<16xf32>,
      tpu.vector_store %arg5[%parallel_loop3A_110, %parallel_loop3A_111], %parallel_loop3A_108 {strides = array<i32>} : memref<3x2048xf32, #tpu.memory_space<vmem>>, vector<16xf32>,
      %parallel_loop3A_113 = arith.select %parallel_loop3A_103, %parallel_loop3A_28, %parallel_loop3A_40 : vector<16xi1>, vector<16xf32>
      %parallel_loop3A_114 = arith.select %parallel_loop3A_99, %parallel_loop3A_16, %parallel_loop3A_113 : vector<16xi1>, vector<16xf32>
      %parallel_loop3A_115 = arith.select %parallel_loop3A_105, %parallel_loop3A_114, %broadcast_in_dim3A_3 : vector<16xi1>, vector<16xf32>
      %parallel_loop3A_116 = arith.constant 1 : i32
      %parallel_loop3A_117 = arith.index_cast %parallel_loop3A_116 : i32 to index
      %parallel_loop3A_118 = arith.index_cast %parallel_loop3A_8 : i32 to index
      %parallel_loop3A_119 = tpu.vector_load %arg5[%parallel_loop3A_117, %parallel_loop3A_118] {strides = array<i32>} : memref<3x2048xf32, #tpu.memory_space<vmem>>, vector<16xf32>,
      tpu.vector_store %arg5[%parallel_loop3A_117, %parallel_loop3A_118], %parallel_loop3A_115 {strides = array<i32>} : memref<3x2048xf32, #tpu.memory_space<vmem>>, vector<16xf32>,
      %parallel_loop3A_120 = arith.select %parallel_loop3A_103, %parallel_loop3A_32, %parallel_loop3A_44 : vector<16xi1>, vector<16xf32>
      %parallel_loop3A_121 = arith.select %parallel_loop3A_99, %parallel_loop3A_20, %parallel_loop3A_120 : vector<16xi1>, vector<16xf32>
      %parallel_loop3A_122 = arith.select %parallel_loop3A_105, %parallel_loop3A_121, %broadcast_in_dim3A_3 : vector<16xi1>, vector<16xf32>
      %parallel_loop3A_123 = arith.constant 2 : i32
      %parallel_loop3A_124 = arith.index_cast %parallel_loop3A_123 : i32 to index
      %parallel_loop3A_125 = arith.index_cast %parallel_loop3A_8 : i32 to index
      %parallel_loop3A_126 = tpu.vector_load %arg5[%parallel_loop3A_124, %parallel_loop3A_125] {strides = array<i32>} : memref<3x2048xf32, #tpu.memory_space<vmem>>, vector<16xf32>,
      tpu.vector_store %arg5[%parallel_loop3A_124, %parallel_loop3A_125], %parallel_loop3A_122 {strides = array<i32>} : memref<3x2048xf32, #tpu.memory_space<vmem>>, vector<16xf32>,
    } {sc.loop_unroll_factor = 2 : i64, sc.parallel_access}
    "tpu.region"() ({
      %run_scoped3A = tpu.sem_alloc : memref<!tpu.dma_semaphore, #tpu.memory_space<semaphore_mem>>
      %dma_start3A = arith.constant 0 : i32
      %dma_start3A_6 = tpu.memref_slice %arg3[%dma_start3A, %mul3A_2] : memref<3x65536xf32, #tpu.memory_space<hbm>> -> memref<3x2048xf32, #tpu.memory_space<hbm>>
      %dma_start3A_7 = arith.constant 0 : i32
      %dma_start3A_8 = tpu.memref_slice %arg3[%dma_start3A_7, %mul3A_2] : memref<3x65536xf32, #tpu.memory_space<hbm>> -> memref<3x2048xf32, #tpu.memory_space<hbm>>
      tpu.enqueue_dma source(%arg5 : memref<3x2048xf32, #tpu.memory_space<vmem>>) target(%dma_start3A_8 : memref<3x2048xf32, #tpu.memory_space<hbm>>) target_semaphore(%run_scoped3A : memref<!tpu.dma_semaphore, #tpu.memory_space<semaphore_mem>>)
      %dma_wait3A = arith.constant 0 : i32
      %dma_wait3A_9 = tpu.memref_slice %arg3[%dma_wait3A, %mul3A_2] : memref<3x65536xf32, #tpu.memory_space<hbm>> -> memref<3x2048xf32, #tpu.memory_space<hbm>>
      %dma_wait3A_10 = arith.constant 0 : i32
      %dma_wait3A_11 = tpu.memref_slice %arg3[%dma_wait3A_10, %mul3A_2] : memref<3x65536xf32, #tpu.memory_space<hbm>> -> memref<3x2048xf32, #tpu.memory_space<hbm>>
      tpu.wait_dma2 semaphore(%run_scoped3A : memref<!tpu.dma_semaphore, #tpu.memory_space<semaphore_mem>>) src(%arg5 : memref<3x2048xf32, #tpu.memory_space<vmem>>) dst(%dma_wait3A_11 : memref<3x2048xf32, #tpu.memory_space<hbm>>)
      tpu.yield
    }) : () -> ()
    return
  }
}

</mosaic_0001>

<sc_bundles>
// kernel: kernel.3.cloned.1.call-start
scs
__scs_entry_jumppad:
0x0: {  	(pc) =	sbr.rel $0x88, $3  }
0x1: {  	(tag) =	ssettag $0x0;
	lr =	simm.s32 $0x1  }
0x2: {  	[smem:$0x3FA0] =	sst lr;
	_ =	strace $0xD0000000  }
0x3: {  	_ = 	snop  }
0x4: {  	_ = 	snop  }
0x5: {  	_ = 	snop  }
0x6: {  	_ = 	snop  }
0x7: {  	_ = 	snop  }
__scs_overlays_trampoline_lowered:
0x8: {  	[smem:$0x3FAF] =	sst s0  }
0x9: {  	[smem:$0x3FB0] =	sst s1  }
0xa: {  	[smem:$0x3FB1] =	sst s2  }
0xb: {  	[smem:$0x3FB2] =	sst s3  }
0xc: {  	[smem:$0x3FB3] =	sst s4  }
0xd: {  	[smem:$0x3FB4] =	sst s5  }
0xe: {  	[smem:$0x3FB5] =	sst s6  }
0xf: {  	[smem:$0x3FB6] =	sst s7  }
0x10: {  	[smem:$0x3FB7] =	sst s8  }
0x11: {  	[smem:$0x3FB8] =	sst s9;
	s0 =	simm.s32 @!p0 $0x0  }
0x12: {  	s1 =	sld [smem:$0x3F9E];
	s0 =	simm.s32 @p0 $0x1  }
0x13: {  	[smem:$0x3FB9] =	sst s0;
	s0 =	simm.s32 @!p1 $0x0  }
0x14: {  	s2 =	sld [smem:$0x3F9D];
	s0 =	simm.s32 @p1 $0x1  }
0x15: {  	[smem:$0x3FBA] =	sst s0;
	s0 =	simm.s32 @!p2 $0x0  }
0x16: {  	s3 =	sld [smem:$0x3FDB];
	s0 =	simm.s32 @p2 $0x1  }
0x17: {  	s4 =	simm.s32 $0x1BF5;
	[smem:$0x3FBC] =	sst s0  }
0x18: {  	s0 =	sld [smem:$0x3F9F];
	_ =	swait.ge [sflag:s4], $0x0  }
0x19: {  	s7 =	sld [smem:$0x3FA0]  }
0x1a: {  	s8 =	sadd.s32 $0xFFFFE003, lr  }
0x1b: {  	s9 =	sadd.s32 $0xFFFFFEF7, lr;
	s5 =	simm.s32 $0xFFFFFFFF;
	p2 =	slt.u32 s8, $0xFFFFF086  }
0x1c: {  	p1 =	slt.u32 s9, $0xF7A;
	s5 =	simm.s32 @!p2 $0x0  }
0x1d: {  	s5 =	simm.s32 @p1 $0x1;
	p0 =	seq.s32 s7, s2  }
0x1e: {  	s7 =	smul.u32 @!p0 $0xF7A, s2;
	p2 =	seq.s32 @!p0 s5, $0x0  }
0x1f: {  	s9 =	smul.u32 $0xF7A, s1;
	s8 =	simm.s32 @!p0 $0x1BF5;
	p2 =	por !p2, p0  }
0x20: {  	[sflag:s8] =	ssyncset.s32 @!p0 $0xFFFFF086;
	s6 =	sadd.s32 @!p0 s3, s7;
	s7 =	simm.s32 @!p0 $0x108  }
0x21: {  	s3 =	sadd.s32 s3, s9;
	s6 =	sadd.s32 @!p0 $0x88, s6;
	s7 =	simm.s32 @p2 $0x1082  }
0x22: {  	[simem:s7], [sflag:s8] =	dma.local @!p0 [hbm:s6], $0xF7A  }
0x23: {  	s9 =	sor.u32 $0xD0000000, s2;
	s6 =	simm.s32 $0x108;
	_ =	swait.ge @!p0 [sflag:s8], $0x0  }
0x24: {  	s3 =	sadd.s32 $0x88, s3;
	s6 =	simm.s32 @!p1 $0x1082;
	[sflag:s4] =	ssyncset.s32 $0xFFFFF086  }
0x25: {  	[simem:s6], [sflag:s4] =	dma.local [hbm:s3], $0xF7A  }
0x26: {  	[smem:$0x3FA0] =	sst s1;
	(tag) =	ssettag s2;
	_ =	strace s9  }
0x27: {  	s1 =	sld [smem:$0x3FB0]  }
0x28: {  	s2 =	sld [smem:$0x3FB1]  }
0x29: {  	s4 =	sld [smem:$0x3FB3]  }
0x2a: {  	p0 =	seq.s32 s5, $0x0;
	s5 =	sld [smem:$0x3FB4]  }
0x2b: {  	s6 =	sld [smem:$0x3FB5]  }
0x2c: {  	s7 =	sld [smem:$0x3FB6]  }
0x2d: {  	s3 =	simm.s32 $0x108;
	s8 =	sld [smem:$0x3FB7]  }
0x2e: {  	s3 =	simm.s32 @!p0 $0x1082;
	s9 =	sld [smem:$0x3FB8]  }
0x2f: {  	lr =	sadd.s32 s0, s3;
	s0 =	sld [smem:$0x3FAF]  }
0x30: {  	s3 =	sld [smem:$0x3FB2]  }
0x31: {  	[smem:$0x3FBB] =	sst s10  }
0x32: {  	s10 =	sld [smem:$0x3FB9];
	_ =	sdelay $0x3  }
0x33: {  	p0 =	seq.s32 s10, $0x1;
	s10 =	sld [smem:$0x3FBB];
	_ =	sdelay $0x3  }
0x34: {  	[smem:$0x3FBB] =	sst s10  }
0x35: {  	s10 =	sld [smem:$0x3FBA];
	_ =	sdelay $0x3  }
0x36: {  	p1 =	seq.s32 s10, $0x1;
	s10 =	sld [smem:$0x3FBB];
	_ =	sdelay $0x3  }
0x37: {  	[smem:$0x3FBB] =	sst s10  }
0x38: {  	s10 =	sld [smem:$0x3FBC]  }
0x39: {  	_ = 	snop;
	(pc) =	sbr.ind lr, $3  }
0x3a: {  	_ = 	snop  }
0x3b: {  	_ = 	snop  }
0x3c: {  	p2 =	seq.s32 s10, $0x1;
	s10 =	sld [smem:$0x3FBB]  }
0x3d: {  	_ =	shalt  }
0x3e: {  	_ =	shalt  }
0x3f: {  	_ =	shalt  }
0x40: {  	_ =	shalt  }
0x41: {  	_ =	shalt  }
0x42: {  	_ =	shalt  }
0x43: {  	_ =	shalt  }
0x44: {  	_ =	shalt  }
0x45: {  	_ =	shalt  }
0x46: {  	_ =	shalt  }
0x47: {  	_ =	shalt  }
0x48: {  	_ =	shalt  }
0x49: {  	_ =	shalt  }
0x4a: {  	_ =	shalt  }
0x4b: {  	_ =	shalt  }
0x4c: {  	_ =	shalt  }
0x4d: {  	_ =	shalt  }
0x4e: {  	_ =	shalt  }
0x4f: {  	_ =	shalt  }
0x50: {  	_ =	shalt  }
0x51: {  	_ =	shalt  }
0x52: {  	_ =	shalt  }
0x53: {  	_ =	shalt  }
0x54: {  	_ =	shalt  }
0x55: {  	_ =	shalt  }
0x56: {  	_ =	shalt  }
0x57: {  	_ =	shalt  }
0x58: {  	_ =	shalt  }
0x59: {  	_ =	shalt  }
0x5a: {  	_ =	shalt  }
0x5b: {  	_ =	shalt  }
0x5c: {  	_ =	shalt  }
0x5d: {  	_ =	shalt  }
0x5e: {  	_ =	shalt  }
0x5f: {  	_ =	shalt  }
0x60: {  	_ =	shalt  }
0x61: {  	_ =	shalt  }
0x62: {  	_ =	shalt  }
0x63: {  	_ =	shalt  }
0x64: {  	_ =	shalt  }
0x65: {  	_ =	shalt  }
0x66: {  	_ =	shalt  }
0x67: {  	_ =	shalt  }
0x68: {  	_ =	shalt  }
0x69: {  	_ =	shalt  }
0x6a: {  	_ =	shalt  }
0x6b: {  	_ =	shalt  }
0x6c: {  	_ =	shalt  }
0x6d: {  	_ =	shalt  }
0x6e: {  	_ =	shalt  }
0x6f: {  	_ =	shalt  }
0x70: {  	_ =	shalt  }
0x71: {  	_ =	shalt  }
0x72: {  	_ =	shalt  }
0x73: {  	_ =	shalt  }
0x74: {  	_ =	shalt  }
0x75: {  	_ =	shalt  }
0x76: {  	_ =	shalt  }
0x77: {  	_ =	shalt  }
0x78: {  	_ =	shalt  }
0x79: {  	_ =	shalt  }
0x7a: {  	_ =	shalt  }
0x7b: {  	_ =	shalt  }
0x7c: {  	_ =	shalt  }
0x7d: {  	_ =	shalt  }
0x7e: {  	_ =	shalt  }
0x7f: {  	_ =	shalt  }
0x80: {  	_ =	shalt  }
0x81: {  	_ =	shalt  }
0x82: {  	_ =	shalt  }
0x83: {  	_ =	shalt  }
0x84: {  	_ =	shalt  }
0x85: {  	_ =	shalt  }
0x86: {  	_ =	shalt  }
0x87: {  	_ =	shalt  }
.Lfunc_end0:
.L_simem_size_0:
called_computation_lowered:
.L_overlay_start_0:
0x88: {  	s2 =	sld [smem:$0x3FD9]  }
0x89: {  	s3 =	sld [smem:$0x3FFE];
	_ =	sdelay $0x1  }
0x8a: {  	s1 =	srdreg.scid  }
0x8b: {  	s0 =	sand.u32 $0x1, s1  }
0x8c: {  	s18 =	sshll.u32 s0, $0xA;
	s2 =	sadd.s32 s3, s2  }
0x8d: {  	s2 =	sadd.s32 s2, s18  }
0x8e: {  	[smem:$0x3FC7] =	sst s2  }
0x8f: {  	_ = 	snop  }
0x90: {  	s2 =	sld [smem:$0x3FC9]  }
0x91: {  	s19 =	sld [smem:$0x3FD0];
	(tm) =	ssettm $0x1  }
0x92: {  	s4 =	sld [smem:$0x3FFB];
	_ =	sdelay $0x3  }
0x93: {  	_ =	strace s4  }
0x94: {  	s4 =	sld [smem:$0x3FFC];
	_ =	sdelay $0x3  }
0x95: {  	_ =	strace s4  }
0x96: {  	s4 =	sld [smem:$0x3FFD];
	_ =	sdelay $0x3  }
0x97: {  	_ =	strace s4  }
0x98: {  	_ =	strace $0x8FFFFFFF  }
0x99: {  	s20 =	sld [smem:$0x3FDB];
	_ =	sdelay $0x1  }
0x9a: {  	s5 =	simm.s32 $_scs_section_size  }
0x9b: {  	s6 =	simm.s32 $_size__tile_overlayer_lowered;
	s7 =	simm.s32 $_tile_overlayer_lowered  }
0x9c: {  	s23 =	simm.s32 $0x1BFF;
	s22 =	sshll.u32 s7, $0x1;
	s4 =	sadd.s32 s5, s20  }
0x9d: {  	s8 =	simm.s32 $0x0;
	s21 =	sshll.u32 s6, $0x1;
	s6 =	sadd.s32 s22, s4  }
0x9e: {  	[timem:s8], [sflag:s23] =	dma.local [hbm:s6], s21  }
0x9f: {  	_ =	swait.ge [sflag:s23], s21  }
0xa0: {  	s5 =	ssub.s32 $0x0, s21;
	[sflag:s23] =	ssyncset.done $0x0  }
0xa1: {  	[sflag:s23] =	ssyncadd.s32 s5;
	_ =	sdelay $0x1  }
0xa2: {  	s24 =	simm.s32 $0x1B8B  }
0xa3: {  	_ =	swait.ge [sflag:s24], $0x1  }
0xa4: {  	[sflag:s24] =	ssyncset.done $0x0  }
0xa5: {  	s25 =	simm.s32 $0x1B8E;
	[sflag:s24] =	ssyncadd.s32 $0xFFFFFFFF  }
0xa6: {  	s26 =	simm.s32 $execute0_lowered;
	[smem:$0x3FD2] =	sst s25  }
0xa7: {  	s5 =	sshll.u32 s26, $0x1;
	_ =	strace $0x80000046;
	[dreg:$0x1] =	wrdreg $0xFFFFFFFF  }
0xa8: {  	s28 =	simm.s32 $_size_execute0_lowered;
	s4 =	sadd.s32 s4, s5;
	[dreg:$0x0] =	wrdreg $0x0  }
0xa9: {  	s5 =	sshll.u32 s28, $0x1;
	[dreg:$0x2] =	wrdreg s4  }
0xaa: {  	[dreg:$0x3] =	wrdreg s5  }
0xab: {  	[dreg:$0x4] =	wrdreg $0xC0  }
0xac: {  	_ =	task [dreg:s8], $0x5FFFF  }
0xad: {  	[dreg:$0x1] =	wrdreg $0xFFFFFFFF  }
0xae: {  	[dreg:$0x0] =	wrdreg $0x60  }
0xaf: {  	[dreg:$0x2] =	wrdreg s2  }
0xb0: {  	[dreg:$0x3] =	wrdreg s19  }
0xb1: {  	[dreg:$0x4] =	wrdreg $0x9  }
0xb2: {  	_ =	task.clear_ibuf [dreg:s8], $0x5FFFF;
	_ =	strace $0x90000046  }
0xb3: {  	s29 =	simm.s32 $0x9;
	_ =	strace $0x80000048  }
0xb4: {  	_ =	swait.ge [sflag:s29], $0x1  }
0xb5: {  	[sflag:s29] =	ssyncadd.s32 $0xFFFFFFFF  }
0xb6: {  	_ =	strace $0x90000048  }
0xb7: {  	_ =	sfence  }
0xb8: {  	s30 =	sld [smem:$0x0];
	_ =	sdelay $0x2  }
0xb9: {  	s31 =	sshll.u32 s1, $0xD;
	s1 =	sshrl.u32 s1, $0x2  }
0xba: {  	s3 =	sand.u32 $0x4000, s31;
	s1 =	sadd.s32 s1, s30  }
0xbb: {  	s0 =	sor.u32 s3, s0;
	s1 =	sshll.u32 s1, $0x11  }
0xbc: {  	s0 =	sor.u32 s1, s0  }
0xbd: {  	s0 =	sadd.s32 $0x8F2B, s0  }
0xbe: {  	[sflag:s0] =	ssyncadd.remote.s32 $0x1  }
0xbf: {  	_ =	sfence.sel $0xFFFF  }
0xc0: {  	[dreg:$0x0] =	wrdreg $0xFFFFFFFF;
	(pc) =	sbr.abs _section_cstart, $3  }
0xc1: {  	[dreg:$0x1] =	wrdreg $0xFFFFFFFF  }
0xc2: {  	_ =	task.clear_ibuf [dreg:s8], $0x2FFFF;
	_ =	strace $0x9FFFFFFF  }
0xc3: {  	(tm) =	ssettm $0x7FFFFFFF  }
tec
execute0_lowered:
.L_overlay_start_1:
0x0: {  	(tag) =	ssettag $0x1  }
0x1: {  	s3 =	rddreg [dreg:$0x0]  }
0x2: {  	s4 =	rddreg [dreg:$0x1];
	s2 =	srdreg.scid  }
0x3: {  	s0 =	rddreg [dreg:$0x2];
	s1 =	stileid.u32;
	s9 =	simm.s32 $0x8000  }
0x4: {  	s10 =	simm.s32 $0x0;
	s5 =	sand.u32 $0x1, s2;
	s2 =	simm.s32 $0x0  }
0x5: {  	s6 =	sshll.u32 s1, $0xC;
	s7 =	sshll.u32 s5, $0xB;
	[smem:$0x7FF] =	sst s2  }
0x6: {  	s5 =	ssub.s32 $0x2, s5;
	s6 =	sor.u32 s7, s6;
	_ =	strace $0x80000047  }
0x7: {  	s31 =	sshrl.u32 s5, $0x1;
	s7 =	simm.s32 $0x80000;
	s8 =	sshrl.u32 s6, $0x1  }
0x8: {  	s5 =	ssub.s32 s5, s31;
	s3 =	sadd.s32 s3, s6;
	s6 =	simm.s32 $0x4000  }
0x9: {  	v0 =	vimm.s32 $0x0;
	s4 =	sadd.s32 s4, s8;
	s5 =	smax.u32 s5, $0x1;
	s8 =	simm.s32 $0x1  }
.LBB2_1:
0xa: {  	[tilespmem:s2], [sflag:$0x1] =	stream.strided.gather [hbm4b:s3+s6], $0x8000, s7, s6, $0x38;
	[tilespmem:$0xA000] =	vst v63  }
0xb: {  	s12 =	sand.u32 $0x60, s2;
	s11 =	simm.s32 $0x0;
	_ =	swait.ge [sflag:s8], $0x8000  }
0xc: {  	s11 =	sand.u32 $0x3FFFFC00, s11;
	s13 =	sor.u32 $0x10, s12;
	[sflag:s8] =	ssyncset.done $0x0  }
0xd: {  	s14 =	sor.u32 s13, s11;
	[sflag:s8] =	ssyncadd.s32 $0xFFFF8000  }
0xe: {  	v9 =	vld [tilespmem:s14+$0x300]  }
0xf: {  	v10 =	vld [tilespmem:s14+$0x380]  }
0x10: {  	v6 =	vld [tilespmem:s14+$0x0]  }
0x11: {  	v5 =	vld [tilespmem:s14+$0x80]  }
0x12: {  	v11 =	vld [tilespmem:s14+$0x100]  }
0x13: {  	v12 =	vld [tilespmem:s14+$0x180]  }
0x14: {  	s15 =	sadd.s32 $0x4000, s11;
	v13 =	vld [tilespmem:s14+$0x200]  }
0x15: {  	s21 =	sor.u32 s13, s15;
	v14 =	vld [tilespmem:s14+$0x280]  }
0x16: {  	v15 =	vld [tilespmem:s21+$0x0];
	_ =	sdelay $0x2  }
0x17: {  	s11 =	sor.u32 s12, s11;
	v3 =	vmax.f32 v5, v11;
	v4 =	vmax.f32 v9, v10  }
0x18: {  	v1 =	vld [tilespmem:s11+$0x0];
	v7 =	vmax.f32 v6, v5;
	v8 =	vmax.f32 v13, v14;
	v16 =	vmax.f32 v12, v13  }
0x19: {  	v2 =	vld [tilespmem:s11+$0x80];
	vm0 =	vgt.f32 v6, v3;
	vm1 =	vgt.f32 v11, v7;
	vm2 =	vgt.f32 v15, v4  }
0x1a: {  	v3 =	vld [tilespmem:s11+$0x100];
	vm3 =	vgt.f32 v12, v8;
	vm4 =	vgt.f32 v14, v16;
	v8 =	vmax.f32 v10, v15  }
0x1b: {  	v7 =	vld [tilespmem:s11+$0x200];
	v16 =	vsel vm0, $0x1, v0;
	v17 =	vsel vm1, $0xFFFFFFFF, v0;
	v18 =	vsel vm2, $0xFFFFFFFF, v0  }
0x1c: {  	v4 =	vld [tilespmem:s11+$0x280];
	v19 =	vsel vm3, $0x1, v0;
	v20 =	vsel vm4, $0xFFFFFFFF, v0;
	vm0 =	vgt.f32 v9, v8  }
0x1d: {  	v22 =	vld [tilespmem:s11+$0x180];
	v16 =	vadd.s32 v17, v16;
	v17 =	vadd.s32 v20, v19;
	v8 =	vsel vm0, $0x1, v0  }
0x1e: {  	v18 =	vadd.s32 v18, v8;
	v8 =	vsub.s32 $0x0, v17;
	v19 =	vadd.s32 v16, v17  }
0x1f: {  	v8 =	vmin.u32 v17, v8;
	v19 =	vadd.s32 v18, v19  }
0x20: {  	v20 =	vmax.f32 v2, v3;
	v8 =	vmul.u32 v8, v19;
	v19 =	vmax.f32 v1, v2  }
0x21: {  	v21 =	vmax.f32 v7, v4;
	vm1 =	vgt.f32 v1, v20;
	vm6 =	vgt.f32 v3, v19  }
0x22: {  	vm7 =	vgt.f32 v22, v21;
	vm0 =	vlt.s32 v8, $0x0;
	vm2 =	veq.s32 v8, $0x0  }
0x23: {  	vm3 =	veq.s32 v8, $0x1;
	vm14 =	vgt.s32 v8, $0x0;
	v19 =	vsel vm6, $0xFFFFFFFF, v0  }
0x24: {  	v8 =	vsel vm3, v6, v11;
	v20 =	vsel vm3, v12, v14;
	v23 =	vsel vm14, $0x1, v0  }
0x25: {  	s22 =	sor.u32 s12, s15;
	v26 =	vld [tilespmem:s11+$0x380];
	v25 =	vsel vm3, v9, v15;
	v24 =	vsel vm2, v5, v8;
	v23 =	vsel vm0, $0xFFFFFFFF, v23  }
0x26: {  	v8 =	vld [tilespmem:s22+$0x0];
	v20 =	vsel vm2, v13, v20;
	v25 =	vsel vm2, v10, v25;
	vm3 =	veq.s32 v23, v16  }
0x27: {  	vm15 =	veq.s32 v23, v17;
	vm5 =	veq.s32 v23, v18;
	v16 =	vnsel vm3, $0x0, v24  }
0x28: {  	v23 =	vld [tilespmem:s11+$0x300];
	v17 =	vnsel vm15, $0x0, v20;
	v18 =	vnsel vm5, $0x0, v25;
	v20 =	vsel vm7, $0x1, v0  }
0x29: {  	vm0 =	vge.f32 v16, v17;
	vm2 =	vge.f32 v16, v18;
	v16 =	vmax.f32 v22, v7  }
0x2a: {  	vm0 =	vmneg vm0;
	vm2 =	vmneg vm2;
	vm8 =	vgt.f32 v4, v16  }
0x2b: {  	vm0 =	vmor vm0, vm2;
	vm2 =	vge.f32 v17, v18;
	v16 =	vmax.f32 v26, v8  }
0x2c: {  	v17 =	vsel vm1, $0x1, v0;
	v21 =	vsel vm8, $0xFFFFFFFF, v0;
	vm2 =	vmand vm2, vm0  }
0x2d: {  	v18 =	vmax.f32 v23, v26;
	vm11 =	vgt.f32 v23, v16;
	vm12 =	vmneg vm0  }
0x2e: {  	v17 =	vadd.s32 v19, v17;
	vm1 =	vmneg vm2;
	vm4 =	vmand vm2, vm15  }
0x2f: {  	vm3 =	vmand vm12, vm3;
	vm13 =	vgt.f32 v8, v18;
	v18 =	vadd.s32 v21, v20  }
0x30: {  	v16 =	vsel vm11, $0x1, v0;
	v14 =	vsel vm2, v14, v15;
	v9 =	vsel vm2, v12, v9  }
0x31: {  	s11 =	simm.s32 $0x20;
	vm1 =	vmand vm1, vm5;
	v19 =	vsel vm13, $0xFFFFFFFF, v0;
	v20 =	vsub.s32 $0x0, v18  }
0x32: {  	s24 =	simm.s32 $0x100;
	s23 =	sand.u32 $0x60, s11;
	vm1 =	vmor vm4, vm1;
	v19 =	vadd.s32 v19, v16;
	v16 =	vadd.s32 v17, v18  }
0x33: {  	s16 =	sand.u32 $0x3FFFFC00, s24;
	s25 =	sor.u32 $0x10, s23;
	v15 =	vmin.u32 v18, v20;
	vm1 =	vmand vm0, vm1;
	v16 =	vadd.s32 v19, v16  }
0x34: {  	s17 =	sadd.s32 $0x4000, s16;
	s18 =	sor.u32 s25, s16;
	v11 =	vsel vm0, v14, v11;
	vm1 =	vmor vm1, vm3;
	v15 =	vmul.u32 v15, v16  }
0x35: {  	s26 =	sor.u32 s25, s17;
	v57 =	vld [tilespmem:s18+$0x280];
	v10 =	vsel vm2, v13, v10;
	v6 =	vsel vm0, v9, v6;
	v14 =	vnsel vm1, $0x0, v11  }
0x36: {  	v27 =	vld [tilespmem:s26+$0x0];
	vm2 =	vgt.s32 v15, $0x0;
	vm3 =	vlt.s32 v15, $0x0;
	vm14 =	veq.s32 v15, $0x1  }
0x37: {  	v13 =	vld [tilespmem:s18+$0x300];
	v11 =	vsel vm2, $0x1, v0;
	v12 =	vsel vm14, v1, v3;
	v20 =	vsel vm14, v22, v4  }
0x38: {  	v16 =	vld [tilespmem:s18+$0x380];
	vm2 =	veq.s32 v15, $0x0;
	v21 =	vsel vm14, v23, v8;
	v11 =	vsel vm3, $0xFFFFFFFF, v11  }
0x39: {  	v15 =	vld [tilespmem:s18+$0x0];
	vm3 =	veq.s32 v11, v17;
	vm15 =	veq.s32 v11, v18;
	vm9 =	veq.s32 v11, v19  }
0x3a: {  	v11 =	vsel vm2, v2, v12;
	v12 =	vsel vm2, v7, v20;
	v18 =	vsel vm2, v26, v21;
	v17 =	vld [tilespmem:s18+$0x80]  }
0x3b: {  	v19 =	vld [tilespmem:s18+$0x200];
	v11 =	vnsel vm3, $0x0, v11;
	v12 =	vnsel vm15, $0x0, v12;
	v20 =	vnsel vm9, $0x0, v18  }
0x3c: {  	v5 =	vsel vm0, v10, v5;
	vm2 =	vge.f32 v11, v12;
	vm10 =	vge.f32 v11, v20  }
0x3d: {  	v58 =	vnsel vm1, $0x0, v5;
	v21 =	vld [tilespmem:s18+$0x100];
	vm0 =	vmneg vm2;
	vm2 =	vmneg vm10  }
0x3e: {  	v9 =	vmax.f32 v13, v16;
	v18 =	vld [tilespmem:s18+$0x180];
	vm11 =	vge.f32 v12, v20;
	vm0 =	vmor vm0, vm2  }
0x3f: {  	vm13 =	vgt.f32 v27, v9;
	v20 =	vnsel vm1, $0x0, v6;
	vm2 =	vmand vm11, vm0  }
0x40: {  	vm1 =	vmneg vm0;
	v10 =	vmax.f32 v15, v17;
	v11 =	vmax.f32 v19, v57  }
0x41: {  	vm4 =	vmand vm2, vm15;
	vm6 =	vmneg vm2;
	vm1 =	vmand vm1, vm3  }
0x42: {  	v5 =	vsel vm2, v22, v23;
	v6 =	vsel vm2, v7, v26;
	v7 =	vmax.f32 v17, v21  }
0x43: {  	v12 =	vmax.f32 v18, v19;
	vm12 =	vgt.f32 v21, v10;
	vm14 =	vgt.f32 v18, v11  }
0x44: {  	v11 =	vsel vm13, $0xFFFFFFFF, v0;
	v4 =	vsel vm2, v4, v8;
	vm3 =	vmand vm6, vm9  }
0x45: {  	vm15 =	vgt.f32 v57, v12;
	v10 =	vsel vm12, $0xFFFFFFFF, v0;
	v12 =	vsel vm14, $0x1, v0  }
0x46: {  	vm3 =	vmor vm4, vm3;
	vm4 =	vgt.f32 v15, v7;
	v7 =	vmax.f32 v16, v27  }
0x47: {  	v22 =	vsel vm15, $0xFFFFFFFF, v0;
	v9 =	vsel vm4, $0x1, v0;
	vm11 =	vgt.f32 v13, v7  }
0x48: {  	v7 =	vadd.s32 v10, v9;
	v9 =	vadd.s32 v22, v12;
	v10 =	vsel vm11, $0x1, v0  }
0x49: {  	v22 =	vadd.s32 v11, v10;
	v11 =	vsub.s32 $0x0, v9;
	v12 =	vadd.s32 v7, v9  }
0x4a: {  	s16 =	sor.u32 s23, s16;
	v10 =	vsel vm0, v5, v1;
	v1 =	vmin.u32 v9, v11;
	v5 =	vadd.s32 v22, v12  }
0x4b: {  	vm2 =	vmand vm0, vm3;
	v11 =	vsel vm0, v6, v2;
	v2 =	vld [tilespmem:s16+$0x80];
	v5 =	vmul.u32 v1, v5  }
0x4c: {  	v12 =	vsel vm0, v4, v3;
	vm0 =	vmor vm2, vm1;
	v3 =	vld [tilespmem:s16+$0x100]  }
0x4d: {  	v1 =	vld [tilespmem:s16+$0x0];
	vm1 =	vlt.s32 v5, $0x0;
	vm2 =	veq.s32 v5, $0x0;
	vm3 =	veq.s32 v5, $0x1  }
0x4e: {  	vm12 =	vgt.s32 v5, $0x0;
	v4 =	vsel vm3, v15, v21;
	v6 =	vsel vm3, v18, v57  }
0x4f: {  	v8 =	vsel vm12, $0x1, v0;
	v59 =	vsel vm3, v13, v27;
	v23 =	vsel vm2, v17, v4  }
0x50: {  	v5 =	vld [tilespmem:s16+$0x200];
	v8 =	vsel vm1, $0xFFFFFFFF, v8;
	v28 =	vsel vm2, v19, v6;
	v26 =	vsel vm2, v16, v59  }
0x51: {  	v4 =	vld [tilespmem:s16+$0x280];
	v60 =	vmax.f32 v2, v3;
	vm1 =	veq.s32 v8, v7;
	vm4 =	veq.s32 v8, v9  }
0x52: {  	v6 =	vld [tilespmem:s16+$0x180];
	vm13 =	veq.s32 v8, v22;
	v61 =	vmax.f32 v1, v2;
	vm6 =	vgt.f32 v1, v60  }
0x53: {  	s17 =	sor.u32 s23, s17;
	v8 =	vnsel vm1, $0x0, v23;
	v22 =	vnsel vm4, $0x0, v28;
	v23 =	vnsel vm13, $0x0, v26  }
0x54: {  	v7 =	vld [tilespmem:s17+$0x0];
	vm14 =	vgt.f32 v3, v61;
	vm2 =	vge.f32 v8, v22;
	vm3 =	vge.f32 v8, v23  }
0x55: {  	v9 =	vld [tilespmem:s16+$0x300];
	v28 =	vsel vm14, $0xFFFFFFFF, v0;
	vm2 =	vmneg vm2;
	vm3 =	vmneg vm3  }
0x56: {  	v8 =	vld [tilespmem:s16+$0x380];
	v29 =	vmax.f32 v5, v4;
	vm2 =	vmor vm2, vm3;
	vm3 =	vge.f32 v22, v23  }
0x57: {  	v22 =	vmax.f32 v6, v5;
	v23 =	vsel vm6, $0x1, v0;
	vm3 =	vmand vm3, vm2  }
0x58: {  	vm15 =	vgt.f32 v6, v29;
	vm12 =	vgt.f32 v4, v22;
	vm9 =	vmneg vm3  }
0x59: {  	vm4 =	vmand vm3, vm4;
	v29 =	vsel vm15, $0x1, v0;
	v30 =	vsel vm12, $0xFFFFFFFF, v0  }
0x5a: {  	v18 =	vsel vm3, v18, v13;
	v16 =	vsel vm3, v19, v16;
	vm5 =	vmand vm9, vm13  }
0x5b: {  	s28 =	simm.s32 $0x0;
	v22 =	vmax.f32 v8, v7;
	vm13 =	vmneg vm2;
	v62 =	vmax.f32 v9, v8  }
0x5c: {  	s16 =	sand.u32 $0x3FFFFE00, s28;
	vm4 =	vmor vm4, vm5;
	vm1 =	vmand vm13, vm1;
	vm14 =	vgt.f32 v9, v22  }
0x5d: {  	s29 =	sadd.s32 $0x8000, s16;
	v22 =	vsel vm3, v57, v27;
	vm15 =	vgt.f32 v7, v62;
	vm4 =	vmand vm2, vm4  }
0x5e: {  	s30 =	simm.s32 $0x80;
	s13 =	sor.u32 s13, s29;
	v24 =	vsel vm2, v22, v21;
	v21 =	vadd.s32 v28, v23;
	v22 =	vadd.s32 v30, v29  }
0x5f: {  	s16 =	sand.u32 $0x3FFFFE00, s30;
	[tilespmem:s13+$0x100] =	vst v14;
	v14 =	vsel vm14, $0x1, v0;
	v23 =	vsel vm15, $0xFFFFFFFF, v0;
	vm1 =	vmor vm4, vm1  }
0x60: {  	s31 =	sadd.s32 $0x8000, s16;
	[tilespmem:s13+$0x0] =	vst v20;
	v63 =	vsub.s32 $0x0, v22;
	v23 =	vadd.s32 v23, v14;
	v20 =	vadd.s32 v21, v22  }
0x61: {  	[tilespmem:s13+$0x80] =	vst v58;
	s16 =	sor.u32 s25, s31;
	v24 =	vnsel vm1, $0x0, v24;
	v14 =	vmin.u32 v22, v63;
	v20 =	vadd.s32 v23, v20  }
0x62: {  	s12 =	sor.u32 s12, s29;
	s13 =	simm.s32 $0x2;
	s17 =	sor.u32 s23, s31;
	[tilespmem:s16+$0x100] =	vst v24;
	v13 =	vmul.u32 v14, v20;
	v20 =	vsel vm2, v18, v15;
	v18 =	vsel vm2, v16, v17  }
.LBB2_2:
0x63: {  	s13 =	sadd.s32 $0x2, s13;
	s11 =	sadd.s32 $0x20, s11;
	v10 =	vnsel vm0, $0x0, v10;
	v11 =	vnsel vm0, $0x0, v11;
	v12 =	vnsel vm0, $0x0, v12  }
0x64: {  	s14 =	sand.u32 $0x60, s11;
	s15 =	sshll.u32 s13, $0x7;
	p0 =	slt.u32 s13, $0x7E;
	vm0 =	vgt.s32 v13, $0x0;
	vm2 =	vlt.s32 v13, $0x0;
	vm3 =	veq.s32 v13, $0x1;
	[tilespmem:s12+$0x0] =	vst v10  }
0x65: {  	s19 =	sand.u32 $0x3FFFFC00, s15;
	s15 =	sor.u32 $0x10, s14;
	v10 =	vsel vm0, $0x1, v0;
	v15 =	vsel vm3, v1, v3;
	v16 =	vsel vm3, v6, v4;
	[tilespmem:s12+$0x80] =	vst v11  }
0x66: {  	vm4 =	veq.s32 v13, $0x0;
	v11 =	vsel vm3, v9, v7;
	s18 =	sor.u32 s14, s19;
	s20 =	sor.u32 s15, s19;
	v10 =	vsel vm2, $0xFFFFFFFF, v10;
	[tilespmem:s12+$0x100] =	vst v12;
	s12 =	smov.u32 s17  }
0x67: {  	v13 =	vld [tilespmem:s20+$0x300];
	vm2 =	veq.s32 v10, v21;
	vm3 =	veq.s32 v10, v22;
	vm0 =	veq.s32 v10, v23  }
0x68: {  	v12 =	vsel vm4, v5, v16;
	v11 =	vsel vm4, v8, v11;
	v10 =	vsel vm4, v2, v15;
	v14 =	vld [tilespmem:s20+$0x380]  }
0x69: {  	v10 =	vnsel vm2, $0x0, v10;
	v12 =	vnsel vm3, $0x0, v12;
	v11 =	vnsel vm0, $0x0, v11;
	v15 =	vld [tilespmem:s20+$0x0]  }
0x6a: {  	vm4 =	vge.f32 v10, v12;
	vm5 =	vge.f32 v10, v11;
	vm6 =	vge.f32 v12, v11;
	v16 =	vld [tilespmem:s20+$0x80]  }
0x6b: {  	v10 =	vnsel vm1, $0x0, v20;
	vm4 =	vmneg vm4;
	vm5 =	vmneg vm5;
	v19 =	vld [tilespmem:s20+$0x100]  }
0x6c: {  	vm4 =	vmor vm4, vm5;
	v17 =	vld [tilespmem:s20+$0x180];
	[tilespmem:s16+$0x0] =	vst v10;
	v10 =	vnsel vm1, $0x0, v18  }
0x6d: {  	s17 =	sadd.s32 $0x4000, s19;
	vm1 =	vmand vm6, vm4;
	vm5 =	vmneg vm4;
	v18 =	vld [tilespmem:s20+$0x200];
	[tilespmem:s16+$0x80] =	vst v10  }
0x6e: {  	s16 =	sor.u32 s14, s17;
	s17 =	sor.u32 s15, s17;
	vm3 =	vmand vm1, vm3;
	vm6 =	vmneg vm1;
	vm2 =	vmand vm5, vm2;
	v20 =	vld [tilespmem:s20+$0x280]  }
0x6f: {  	v6 =	vsel vm1, v6, v9;
	v5 =	vsel vm1, v5, v8;
	vm0 =	vmand vm6, vm0;
	v21 =	vld [tilespmem:s17+$0x0]  }
0x70: {  	v4 =	vsel vm1, v4, v7;
	v10 =	vsel vm4, v6, v1;
	vm0 =	vmor vm3, vm0;
	v1 =	vld [tilespmem:s18+$0x0]  }
0x71: {  	v11 =	vsel vm4, v5, v2;
	v12 =	vsel vm4, v4, v3;
	vm0 =	vmand vm4, vm0;
	v2 =	vld [tilespmem:s18+$0x80]  }
0x72: {  	v7 =	vmax.f32 v13, v14;
	v4 =	vmax.f32 v16, v19;
	vm0 =	vmor vm0, vm2;
	v3 =	vld [tilespmem:s18+$0x100]  }
0x73: {  	v8 =	vmax.f32 v15, v16;
	v22 =	vmax.f32 v17, v18;
	v6 =	vld [tilespmem:s18+$0x180];
	v9 =	vmax.f32 v18, v20  }
0x74: {  	vm1 =	vgt.f32 v15, v4;
	vm2 =	vgt.f32 v19, v8;
	v5 =	vld [tilespmem:s18+$0x200];
	vm3 =	vgt.f32 v21, v7  }
0x75: {  	vm5 =	vgt.f32 v20, v22;
	vm4 =	vgt.f32 v17, v9;
	v8 =	vmax.f32 v14, v21;
	v4 =	vld [tilespmem:s18+$0x280]  }
0x76: {  	v23 =	vsel vm2, $0xFFFFFFFF, v0;
	v22 =	vsel vm1, $0x1, v0;
	v24 =	vsel vm3, $0xFFFFFFFF, v0;
	v7 =	vld [tilespmem:s16+$0x0]  }
0x77: {  	v26 =	vsel vm5, $0xFFFFFFFF, v0;
	v25 =	vsel vm4, $0x1, v0;
	vm1 =	vgt.f32 v13, v8;
	v9 =	vld [tilespmem:s18+$0x300]  }
0x78: {  	v22 =	vadd.s32 v23, v22;
	v23 =	vadd.s32 v26, v25;
	v25 =	vsel vm1, $0x1, v0;
	v8 =	vld [tilespmem:s18+$0x380]  }
0x79: {  	v24 =	vadd.s32 v24, v25;
	v25 =	vsub.s32 $0x0, v23;
	v26 =	vadd.s32 v22, v23  }
0x7a: {  	v27 =	vmax.f32 v2, v3;
	v25 =	vmin.u32 v23, v25;
	v26 =	vadd.s32 v24, v26  }
0x7b: {  	v28 =	vmax.f32 v1, v2;
	v25 =	vmul.u32 v25, v26;
	v29 =	vmax.f32 v5, v4  }
0x7c: {  	vm1 =	vgt.f32 v3, v28;
	vm3 =	vgt.f32 v1, v27;
	v26 =	vmax.f32 v6, v5  }
0x7d: {  	vm2 =	vlt.s32 v25, $0x0;
	vm4 =	veq.s32 v25, $0x0;
	vm5 =	veq.s32 v25, $0x1  }
0x7e: {  	vm6 =	vgt.s32 v25, $0x0;
	v25 =	vsel vm5, v15, v19;
	v27 =	vsel vm5, v17, v20  }
0x7f: {  	v28 =	vsel vm6, $0x1, v0;
	v30 =	vsel vm5, v13, v21;
	v25 =	vsel vm4, v16, v25  }
0x80: {  	v28 =	vsel vm2, $0xFFFFFFFF, v28;
	v27 =	vsel vm4, v18, v27;
	v30 =	vsel vm4, v14, v30  }
0x81: {  	vm4 =	veq.s32 v28, v22;
	vm5 =	veq.s32 v28, v23;
	vm6 =	veq.s32 v28, v24  }
0x82: {  	v22 =	vnsel vm4, $0x0, v25;
	v23 =	vnsel vm5, $0x0, v27;
	v24 =	vnsel vm6, $0x0, v30  }
0x83: {  	vm7 =	vgt.f32 v6, v29;
	vm2 =	vge.f32 v22, v23;
	vm8 =	vge.f32 v22, v24  }
0x84: {  	vm9 =	vgt.f32 v4, v26;
	vm2 =	vmneg vm2;
	vm8 =	vmneg vm8  }
0x85: {  	v22 =	vmax.f32 v8, v7;
	vm2 =	vmor vm2, vm8;
	vm8 =	vge.f32 v23, v24  }
0x86: {  	v23 =	vsel vm3, $0x1, v0;
	v24 =	vmax.f32 v9, v8;
	vm3 =	vmand vm8, vm2  }
0x87: {  	v26 =	vsel vm7, $0x1, v0;
	v25 =	vsel vm1, $0xFFFFFFFF, v0;
	vm1 =	vmneg vm3  }
0x88: {  	v27 =	vsel vm9, $0xFFFFFFFF, v0;
	vm5 =	vmand vm3, vm5;
	vm1 =	vmand vm1, vm6  }
0x89: {  	s16 =	sshll.u32 s13, $0x6;
	vm6 =	vgt.f32 v9, v22;
	vm1 =	vmor vm5, vm1;
	vm5 =	vmneg vm2  }
0x8a: {  	s16 =	sand.u32 $0x3FFFFE00, s16;
	v20 =	vsel vm3, v20, v21;
	vm1 =	vmand vm2, vm1;
	vm4 =	vmand vm5, vm4  }
0x8b: {  	s16 =	sadd.s32 $0x8000, s16;
	v19 =	vsel vm2, v20, v19;
	vm5 =	vgt.f32 v7, v24;
	vm1 =	vmor vm1, vm4  }
.Ltmp0:
0x8c: {  	s17 =	sor.u32 s14, s16;
	s16 =	sor.u32 s15, s16;
	v21 =	vadd.s32 v25, v23;
	v22 =	vadd.s32 v27, v26;
	v19 =	vnsel vm1, $0x0, v19;
	(pc) =	sbr.rel @p0 .LBB2_2-.Ltmp0, $4  }
0x8d: {  	v20 =	vsel vm6, $0x1, v0;
	v24 =	vsub.s32 $0x0, v22;
	v23 =	vsel vm5, $0xFFFFFFFF, v0;
	[tilespmem:s16+$0x100] =	vst v19  }
0x8e: {  	v23 =	vadd.s32 v23, v20;
	v20 =	vadd.s32 v21, v22;
	v19 =	vmin.u32 v22, v24  }
0x8f: {  	v17 =	vsel vm3, v17, v13;
	v14 =	vsel vm3, v18, v14;
	v20 =	vadd.s32 v23, v20  }
0x90: {  	v18 =	vsel vm2, v14, v16;
	v13 =	vmul.u32 v19, v20;
	v20 =	vsel vm2, v17, v15  }
0x91: {  	_ = 	snop  }
0x92: {  	vm2 =	vgt.s32 v13, $0x0;
	vm3 =	vlt.s32 v13, $0x0;
	vm4 =	veq.s32 v13, $0x1  }
0x93: {  	vm6 =	veq.s32 v13, $0x0;
	v14 =	vsel vm2, $0x1, v0;
	v15 =	vsel vm4, v1, v3  }
0x94: {  	v57 =	vsel vm4, v6, v4;
	v58 =	vsel vm4, v9, v7;
	v14 =	vsel vm3, $0xFFFFFFFF, v14  }
0x95: {  	v15 =	vsel vm6, v2, v15;
	v13 =	vsel vm6, v8, v58;
	vm10 =	veq.s32 v14, v21  }
0x96: {  	vm3 =	veq.s32 v14, v22;
	vm5 =	veq.s32 v14, v23;
	v14 =	vsel vm6, v5, v57  }
0x97: {  	v15 =	vnsel vm10, $0x0, v15;
	v14 =	vnsel vm3, $0x0, v14;
	v13 =	vnsel vm5, $0x0, v13  }
0x98: {  	vm11 =	vge.f32 v15, v14;
	vm12 =	vge.f32 v15, v13  }
0x99: {  	vm4 =	vmneg vm11;
	vm6 =	vmneg vm12  }
0x9a: {  	vm13 =	vge.f32 v14, v13;
	vm4 =	vmor vm4, vm6  }
0x9b: {  	v10 =	vnsel vm0, $0x0, v10;
	vm6 =	vmand vm13, vm4  }
0x9c: {  	v11 =	vnsel vm0, $0x0, v11;
	v12 =	vnsel vm0, $0x0, v12;
	vm14 =	vmneg vm6  }
0x9d: {  	v59 =	vnsel vm1, $0x0, v20;
	[tilespmem:s12+$0x0] =	vst v10;
	vm3 =	vmand vm6, vm3;
	vm0 =	vmand vm14, vm5  }
0x9e: {  	v60 =	vnsel vm1, $0x0, v18;
	[tilespmem:s12+$0x80] =	vst v11;
	vm15 =	vmneg vm4;
	vm0 =	vmor vm3, vm0  }
0x9f: {  	[tilespmem:s12+$0x100] =	vst v12;
	vm1 =	vmand vm15, vm10;
	v61 =	vsel vm6, v6, v9;
	vm0 =	vmand vm4, vm0  }
0xa0: {  	[tilespmem:s16+$0x0] =	vst v59;
	v62 =	vsel vm6, v5, v8;
	v1 =	vsel vm4, v61, v1;
	vm0 =	vmor vm0, vm1  }
0xa1: {  	[tilespmem:s16+$0x80] =	vst v60;
	v63 =	vsel vm6, v4, v7;
	v2 =	vsel vm4, v62, v2;
	v1 =	vnsel vm0, $0x0, v1  }
0xa2: {  	s10 =	sadd.s32 $0x1, s10;
	v3 =	vsel vm4, v63, v3;
	v2 =	vnsel vm0, $0x0, v2;
	[tilespmem:s17+$0x0] =	vst v1  }
0xa3: {  	p0 =	sne.s32 s10, s5;
	v1 =	vnsel vm0, $0x0, v3;
	[tilespmem:s17+$0x80] =	vst v2  }
.Ltmp1:
0xa4: {  	[tilespmem:s17+$0x100] =	vst v1;
	(pc) =	sbr.rel @p0 .LBB2_1-.Ltmp1, $4  }
0xa5: {  	[hbm4b:s4+s2] =	stream.linear.scatter [tilespmem:s9], [sflag:$0x1], $0x2000, $0x38;
	[tilespmem:$0xA000] =	vst v63  }
0xa6: {  	_ =	swait.ge [sflag:s8], $0x2000  }
0xa7: {  	[sflag:s8] =	ssyncset.done $0x0  }
0xa8: {  	[sflag:s8] =	ssyncadd.s32 $0xFFFFE000  }
0xa9: {  	_ =	sfence.sel $0x180000  }
0xaa: {  	[bflag:$0x0] =	sbarrier.arrive $0xFFFF  }
0xab: {  	p0 =	sne.s32 s1, $0x0;
	_ =	strace $0x90000047  }
0xac: {  	s0 =	sadd.s32 @!p0 $0x100000, s0;
	[bflag:$0x2] =	sbarrier.arrive $0xFFFF  }
0xad: {  	[sflag:s0] =	ssyncadd.tile.s32 @!p0 $0x1;
	_ =	shalt  }
.Lfunc_end2:
_tile_overlayer_lowered:
.L_overlay_start_2:
0xae: {  	(tag) =	ssettag $0x2  }
0xaf: {  	s0 =	rddreg [dreg:$0x0];
	s2 =	stileid.u32  }
0xb0: {  	s1 =	rddreg [dreg:$0x1];
	p0 =	sne.s32 s2, $0x0  }
0xb1: {  	s3 =	rddreg [dreg:$0x2];
	[bflag:$0x3] =	sbarrier.arrive $0xFFFF;
	s2 =	simm.s32 @!p0 $0x1C01  }
0xb2: {  	[timem:s3], [sflag:s2] =	dma.local @!p0 [hbm:s0], s1  }
0xb3: {  	s0 =	simm.s32 @!p0 $0x1  }
0xb4: {  	_ =	swait.ge @!p0 [sflag:s0], s1  }
0xb5: {  	s1 =	ssub.s32 @!p0 $0x0, s1;
	[sflag:s0] =	ssyncset.done @!p0 $0x0  }
0xb6: {  	[sflag:s0] =	ssyncadd.s32 @!p0 s1  }
0xb7: {  	[bflag:$0x3] =	sbarrier.arrive $0xFFFF  }
0xb8: {  	_ =	shalt  }

</sc_bundles>
